<compile_context>
chip_gen: v7x
topology: tpu7x:2x2x1
jax: 0.10.2.dev20260603
libtpu: 0.0.44.dev20260713+nightly
codegen_flags: <defaults>
</compile_context>

<pallas_src>
import functools
import jax
import jax.numpy as jnp
from jax import lax
from jax.experimental import pallas as pl
from jax.experimental.pallas import tpu as pltpu, tpu_sc as plsc

_NUM_BITS = 16
_C = 2
_SCALE = 2e-05
_BITS_PER_CHUNK = _NUM_BITS // _C
_CHUNK_SIZE = 2 ** _BITS_PER_CHUNK
_TOTAL_SIZE = 2 ** _NUM_BITS
_MASK = _CHUNK_SIZE - 1

_NC = 2
_NS = 16
_NW = _NC * _NS
_L = 16

_MAGIC = float(2.0 ** 23)


def _make_sc_kernel(n_total: int, chunk: int):
  per_w = n_total // _NW
  n_chunks = per_w // chunk
  n_vecs = chunk // _L
  mesh = plsc.VectorSubcoreMesh(core_axis_name="c", subcore_axis_name="s",
                                num_cores=_NC, num_subcores=_NS)

  @functools.partial(
      pl.kernel,
      out_type=jax.ShapeDtypeStruct((n_total,), jnp.float32),
      mesh=mesh,
      compiler_params=pltpu.CompilerParams(needs_layout_passes=False),
      scratch_types=[
          pltpu.VMEM((_CHUNK_SIZE,), jnp.float32),
          pltpu.VMEM((_CHUNK_SIZE,), jnp.float32),
          pltpu.VMEM((chunk,), jnp.float32),
          pltpu.VMEM((chunk,), jnp.float32),
      ],
  )
  def k(x_hbm, t0_hbm, t1_hbm, out_hbm, t0_v, t1_v, xbuf, obuf):
    wid = lax.axis_index("s") * _NC + lax.axis_index("c")
    base = wid * per_w
    pltpu.sync_copy(t0_hbm, t0_v)
    pltpu.sync_copy(t1_hbm, t1_v)

    def chunk_body(c, _):
      off = base + c * chunk
      pltpu.sync_copy(x_hbm.at[pl.ds(off, chunk)], xbuf)

      def vec_body(i, _):
        xv = xbuf[pl.ds(i * _L, _L)]
        y = xv / jnp.float32(_SCALE)
        y = jnp.minimum(jnp.maximum(y, jnp.float32(0.0)),
                        jnp.float32(_TOTAL_SIZE - 1))
        y = (y + jnp.float32(_MAGIC)) - jnp.float32(_MAGIC)
        idx = y.astype(jnp.int32)
        lo = jnp.bitwise_and(idx, _MASK)
        hi = lax.shift_right_logical(idx, _BITS_PER_CHUNK)
        v = plsc.load_gather(t0_v, [lo]) + plsc.load_gather(t1_v, [hi])
        obuf[pl.ds(i * _L, _L)] = v
        return 0

      lax.fori_loop(0, n_vecs, vec_body, 0)
      pltpu.sync_copy(obuf, out_hbm.at[pl.ds(off, chunk)])
      return 0

    lax.fori_loop(0, n_chunks, chunk_body, 0)

  return k


@jax.jit
def kernel(x, table0, table1):
  shape = x.shape
  n_total = x.size
  flat = x.reshape((n_total,))
  out = _make_sc_kernel(n_total, chunk=16384)(flat, table0, table1)
  return out.reshape(shape)

# --- scband reference (transcript-rebuilt; emitter-appended) ---
"""Pipeline reference for scband-structured-lookup-activation-50362786513444 (READ-ONLY COPY).

The authoritative reference and input builder live on the scoring server;
editing this copy changes nothing except your own understanding.
"""

import jax, jax.numpy as jnp
import numpy as np

NUM_BITS = 16
C = 2
SCALE = 2e-05
BITS_PER_CHUNK = NUM_BITS // C  # 8
CHUNK_SIZE = 2 ** BITS_PER_CHUNK  # 256
TOTAL_SIZE = 2 ** NUM_BITS  # 65536
MASK = CHUNK_SIZE - 1


def _build_tables():
    tables = []
    for i in range(C):
        indices = jnp.arange(CHUNK_SIZE, dtype=jnp.float32)
        if i == C - 1:
            x_idx = indices * (CHUNK_SIZE ** i) + (CHUNK_SIZE ** i) / 2.0
            x_approx = (x_idx / TOTAL_SIZE - 0.5) * 8.0
            init = jax.nn.gelu(x_approx, approximate=False)  # torch F.gelu default is exact erf
        else:
            init = jnp.zeros((CHUNK_SIZE,), dtype=jnp.float32)
        tables.append(init)
    return tables


def setup_inputs(seed: int = 0) -> dict:
    key = jax.random.key(seed)
    x = jax.random.uniform(key, (4, 8192, 2048), dtype=jnp.float32)
    t0, t1 = _build_tables()
    return {"x": x, "table0": t0, "table1": t1}


def reference(x, table0, table1):
    # x_int = clamp(round(x / scale), 0, 2^num_bits - 1)
    x_int = jnp.clip(jnp.round(x / SCALE), 0.0, float(TOTAL_SIZE - 1)).astype(jnp.int32)
    out = table0[x_int & MASK]
    out = out + table1[(x_int >> BITS_PER_CHUNK) & MASK]
    return out

if __name__ == "__main__":
    import jax
    _d = setup_inputs()
    print(jax.jit(kernel)(*tuple(_d.values())))

</pallas_src>

<mosaic_0001>
#map = affine_map<(d0, d1) -> (0)>
module attributes {stable_mosaic.version = 14 : i64} {
  func.func @k(%arg0: i32, %arg1: i32, %arg2: memref<67108864xf32, #tpu.memory_space<hbm>>, %arg3: memref<256xf32, #tpu.memory_space<hbm>>, %arg4: memref<256xf32, #tpu.memory_space<hbm>>, %arg5: memref<67108864xf32, #tpu.memory_space<hbm>>, %arg6: memref<256xf32, #tpu.memory_space<vmem>>, %arg7: memref<256xf32, #tpu.memory_space<vmem>>, %arg8: memref<16384xf32, #tpu.memory_space<vmem>>, %arg9: memref<16384xf32, #tpu.memory_space<vmem>>) attributes {dimension_semantics = [#tpu.dimension_semantics<core_parallel>, #tpu.dimension_semantics<subcore_parallel>], iteration_bounds = array<i64: 2, 16>, scalar_prefetch = 0 : i64, scratch_operands = 4 : i64, tpu.core_type = #tpu.core_type<sc_vector_subcore>, window_params = [{transform_indices = #map}, {transform_indices = #map}, {transform_indices = #map}, {transform_indices = #map}]} {
    %mul3A = arith.constant 2 : i32
    %mul3A_0 = arith.muli %arg1, %mul3A : i32
    %add3A = arith.addi %mul3A_0, %arg0 : i32
    %mul3A_1 = arith.constant 2097152 : i32
    %mul3A_2 = arith.muli %add3A, %mul3A_1 : i32
    "tpu.region"() ({
      %run_scoped3A = tpu.sem_alloc : memref<!tpu.dma_semaphore, #tpu.memory_space<semaphore_mem>>
      tpu.enqueue_dma source(%arg3 : memref<256xf32, #tpu.memory_space<hbm>>) target(%arg6 : memref<256xf32, #tpu.memory_space<vmem>>) target_semaphore(%run_scoped3A : memref<!tpu.dma_semaphore, #tpu.memory_space<semaphore_mem>>)
      tpu.wait_dma2 semaphore(%run_scoped3A : memref<!tpu.dma_semaphore, #tpu.memory_space<semaphore_mem>>) src(%arg3 : memref<256xf32, #tpu.memory_space<hbm>>) dst(%arg6 : memref<256xf32, #tpu.memory_space<vmem>>)
      tpu.yield
    }) : () -> ()
    "tpu.region"() ({
      %run_scoped3A = tpu.sem_alloc : memref<!tpu.dma_semaphore, #tpu.memory_space<semaphore_mem>>
      tpu.enqueue_dma source(%arg4 : memref<256xf32, #tpu.memory_space<hbm>>) target(%arg7 : memref<256xf32, #tpu.memory_space<vmem>>) target_semaphore(%run_scoped3A : memref<!tpu.dma_semaphore, #tpu.memory_space<semaphore_mem>>)
      tpu.wait_dma2 semaphore(%run_scoped3A : memref<!tpu.dma_semaphore, #tpu.memory_space<semaphore_mem>>) src(%arg4 : memref<256xf32, #tpu.memory_space<hbm>>) dst(%arg7 : memref<256xf32, #tpu.memory_space<vmem>>)
      tpu.yield
    }) : () -> ()
    %scan3A = arith.constant 0 : i32
    %scan3A_3 = arith.constant 0 : i32
    %scan3A_4 = arith.constant 128 : i32
    %scan3A_5 = arith.addi %scan3A_3, %scan3A_4 : i32
    %scan3A_6 = arith.constant 1 : i32
    %scan3A_7 = scf.for %scan3A_9 = %scan3A_3 to %scan3A_5 step %scan3A_6 iter_args(%scan3A_10 = %scan3A) -> (i32)  : i32 {
      %mul3A_11 = arith.constant 16384 : i32
      %mul3A_12 = arith.muli %scan3A_9, %mul3A_11 : i32
      %add3A_13 = arith.addi %mul3A_2, %mul3A_12 : i32
      "tpu.region"() ({
        %run_scoped3A = tpu.sem_alloc : memref<!tpu.dma_semaphore, #tpu.memory_space<semaphore_mem>>
        %dma_start3A = tpu.memref_slice %arg2[%add3A_13] : memref<67108864xf32, #tpu.memory_space<hbm>> -> memref<16384xf32, #tpu.memory_space<hbm>>
        %dma_start3A_22 = tpu.memref_slice %arg2[%add3A_13] : memref<67108864xf32, #tpu.memory_space<hbm>> -> memref<16384xf32, #tpu.memory_space<hbm>>
        tpu.enqueue_dma source(%dma_start3A_22 : memref<16384xf32, #tpu.memory_space<hbm>>) target(%arg8 : memref<16384xf32, #tpu.memory_space<vmem>>) target_semaphore(%run_scoped3A : memref<!tpu.dma_semaphore, #tpu.memory_space<semaphore_mem>>)
        %dma_wait3A = tpu.memref_slice %arg2[%add3A_13] : memref<67108864xf32, #tpu.memory_space<hbm>> -> memref<16384xf32, #tpu.memory_space<hbm>>
        %dma_wait3A_23 = tpu.memref_slice %arg2[%add3A_13] : memref<67108864xf32, #tpu.memory_space<hbm>> -> memref<16384xf32, #tpu.memory_space<hbm>>
        tpu.wait_dma2 semaphore(%run_scoped3A : memref<!tpu.dma_semaphore, #tpu.memory_space<semaphore_mem>>) src(%dma_wait3A_23 : memref<16384xf32, #tpu.memory_space<hbm>>) dst(%arg8 : memref<16384xf32, #tpu.memory_space<vmem>>)
        tpu.yield
      }) : () -> ()
      %scan3A_14 = arith.constant 0 : i32
      %scan3A_15 = arith.constant 0 : i32
      %scan3A_16 = arith.constant 1024 : i32
      %scan3A_17 = arith.addi %scan3A_15, %scan3A_16 : i32
      %scan3A_18 = arith.constant 1 : i32
      %scan3A_19 = scf.for %scan3A_22 = %scan3A_15 to %scan3A_17 step %scan3A_18 iter_args(%scan3A_23 = %scan3A_14) -> (i32)  : i32 {
        %mul3A_24 = arith.constant 16 : i32
        %mul3A_25 = arith.muli %scan3A_22, %mul3A_24 : i32
        %get3A = arith.index_cast %mul3A_25 : i32 to index
        %get3A_26 = tpu.vector_load %arg8[%get3A] {strides = array<i32>} : memref<16384xf32, #tpu.memory_space<vmem>>, vector<16xf32>,
        %div3A = arith.constant 2.000000e-05 : f32
        %div3A_27 = vector.broadcast %div3A : f32 to vector<16xf32>
        %div3A_28 = arith.divf %get3A_26, %div3A_27 : vector<16xf32>
        %max3A = arith.constant 0.000000e+00 : f32
        %max3A_29 = vector.broadcast %max3A : f32 to vector<16xf32>
        %max3A_30 = arith.maximumf %div3A_28, %max3A_29 : vector<16xf32>
        %min3A = arith.constant 6.553500e+04 : f32
        %min3A_31 = vector.broadcast %min3A : f32 to vector<16xf32>
        %min3A_32 = arith.minimumf %max3A_30, %min3A_31 : vector<16xf32>
        %add3A_33 = arith.constant 0x4B000000 : f32
        %add3A_34 = vector.broadcast %add3A_33 : f32 to vector<16xf32>
        %add3A_35 = arith.addf %min3A_32, %add3A_34 : vector<16xf32>
        %sub3A = arith.constant 0x4B000000 : f32
        %sub3A_36 = vector.broadcast %sub3A : f32 to vector<16xf32>
        %sub3A_37 = arith.subf %add3A_35, %sub3A_36 : vector<16xf32>
        %convert_element_type3A = arith.fptosi %sub3A_37 : vector<16xf32> to vector<16xi32>
        %and3A = arith.constant 255 : i32
        %and3A_38 = vector.broadcast %and3A : i32 to vector<16xi32>
        %and3A_39 = arith.andi %convert_element_type3A, %and3A_38 : vector<16xi32>
        %shift_right_logical3A = arith.constant 8 : i32
        %shift_right_logical3A_40 = vector.broadcast %shift_right_logical3A : i32 to vector<16xi32>
        %shift_right_logical3A_41 = arith.shrui %convert_element_type3A, %shift_right_logical3A_40 : vector<16xi32>
        %gather3A = tpu.vector_load_idx %arg6[%and3A_39] : memref<256xf32, #tpu.memory_space<vmem>>[vector<16xi32>], vector<16xf32>,
        %gather3A_42 = tpu.vector_load_idx %arg7[%shift_right_logical3A_41] : memref<256xf32, #tpu.memory_space<vmem>>[vector<16xi32>], vector<16xf32>,
        %add3A_43 = arith.addf %gather3A, %gather3A_42 : vector<16xf32>
        %mul3A_44 = arith.constant 16 : i32
        %mul3A_45 = arith.muli %scan3A_22, %mul3A_44 : i32
        %swap3A = arith.index_cast %mul3A_45 : i32 to index
        %swap3A_46 = tpu.vector_load %arg9[%swap3A] {strides = array<i32>} : memref<16384xf32, #tpu.memory_space<vmem>>, vector<16xf32>,
        tpu.vector_store %arg9[%swap3A], %add3A_43 {strides = array<i32>} : memref<16384xf32, #tpu.memory_space<vmem>>, vector<16xf32>,
        %scan3A_47 = arith.constant 0 : i32
        scf.yield %scan3A_47 : i32
      }
      %scan3A_20 = arith.constant 1024 : i32
      "tpu.region"() ({
        %run_scoped3A = tpu.sem_alloc : memref<!tpu.dma_semaphore, #tpu.memory_space<semaphore_mem>>
        %dma_start3A = tpu.memref_slice %arg5[%add3A_13] : memref<67108864xf32, #tpu.memory_space<hbm>> -> memref<16384xf32, #tpu.memory_space<hbm>>
        %dma_start3A_22 = tpu.memref_slice %arg5[%add3A_13] : memref<67108864xf32, #tpu.memory_space<hbm>> -> memref<16384xf32, #tpu.memory_space<hbm>>
        tpu.enqueue_dma source(%arg9 : memref<16384xf32, #tpu.memory_space<vmem>>) target(%dma_start3A_22 : memref<16384xf32, #tpu.memory_space<hbm>>) target_semaphore(%run_scoped3A : memref<!tpu.dma_semaphore, #tpu.memory_space<semaphore_mem>>)
        %dma_wait3A = tpu.memref_slice %arg5[%add3A_13] : memref<67108864xf32, #tpu.memory_space<hbm>> -> memref<16384xf32, #tpu.memory_space<hbm>>
        %dma_wait3A_23 = tpu.memref_slice %arg5[%add3A_13] : memref<67108864xf32, #tpu.memory_space<hbm>> -> memref<16384xf32, #tpu.memory_space<hbm>>
        tpu.wait_dma2 semaphore(%run_scoped3A : memref<!tpu.dma_semaphore, #tpu.memory_space<semaphore_mem>>) src(%arg9 : memref<16384xf32, #tpu.memory_space<vmem>>) dst(%dma_wait3A_23 : memref<16384xf32, #tpu.memory_space<hbm>>)
        tpu.yield
      }) : () -> ()
      %scan3A_21 = arith.constant 0 : i32
      scf.yield %scan3A_21 : i32
    }
    %scan3A_8 = arith.constant 128 : i32
    return
  }
}

</mosaic_0001>

<sc_bundles>
// kernel: kernel.3.cloned.1.call-start
scs
__scs_entry_jumppad:
0x0: {  	(pc) =	sbr.rel $0x88, $3  }
0x1: {  	(tag) =	ssettag $0x0;
	lr =	simm.s32 $0x1  }
0x2: {  	[smem:$0x3F9E] =	sst lr;
	_ =	strace $0xD0000000  }
0x3: {  	_ = 	snop  }
0x4: {  	_ = 	snop  }
0x5: {  	_ = 	snop  }
0x6: {  	_ = 	snop  }
0x7: {  	_ = 	snop  }
__scs_overlays_trampoline_lowered:
0x8: {  	[smem:$0x3FAD] =	sst s0  }
0x9: {  	[smem:$0x3FAE] =	sst s1  }
0xa: {  	[smem:$0x3FAF] =	sst s2  }
0xb: {  	[smem:$0x3FB0] =	sst s3  }
0xc: {  	[smem:$0x3FB1] =	sst s4  }
0xd: {  	[smem:$0x3FB2] =	sst s5  }
0xe: {  	[smem:$0x3FB3] =	sst s6  }
0xf: {  	[smem:$0x3FB4] =	sst s7  }
0x10: {  	[smem:$0x3FB5] =	sst s8  }
0x11: {  	[smem:$0x3FB6] =	sst s9;
	s0 =	simm.s32 @!p0 $0x0  }
0x12: {  	s1 =	sld [smem:$0x3F9C];
	s0 =	simm.s32 @p0 $0x1  }
0x13: {  	[smem:$0x3FB7] =	sst s0;
	s0 =	simm.s32 @!p1 $0x0  }
0x14: {  	s2 =	sld [smem:$0x3F9B];
	s0 =	simm.s32 @p1 $0x1  }
0x15: {  	[smem:$0x3FB8] =	sst s0;
	s0 =	simm.s32 @!p2 $0x0  }
0x16: {  	s3 =	sld [smem:$0x3FDB];
	s0 =	simm.s32 @p2 $0x1  }
0x17: {  	s4 =	simm.s32 $0x1BF5;
	[smem:$0x3FBA] =	sst s0  }
0x18: {  	s0 =	sld [smem:$0x3F9D];
	_ =	swait.ge [sflag:s4], $0x0  }
0x19: {  	s7 =	sld [smem:$0x3F9E]  }
0x1a: {  	s8 =	sadd.s32 $0xFFFFE003, lr  }
0x1b: {  	s9 =	sadd.s32 $0xFFFFFEF7, lr;
	s5 =	simm.s32 $0xFFFFFFFF;
	p2 =	slt.u32 s8, $0xFFFFF086  }
0x1c: {  	p1 =	slt.u32 s9, $0xF7A;
	s5 =	simm.s32 @!p2 $0x0  }
0x1d: {  	s5 =	simm.s32 @p1 $0x1;
	p0 =	seq.s32 s7, s2  }
0x1e: {  	s7 =	smul.u32 @!p0 $0xF7A, s2;
	p2 =	seq.s32 @!p0 s5, $0x0  }
0x1f: {  	s9 =	smul.u32 $0xF7A, s1;
	s8 =	simm.s32 @!p0 $0x1BF5;
	p2 =	por !p2, p0  }
0x20: {  	[sflag:s8] =	ssyncset.s32 @!p0 $0xFFFFF086;
	s6 =	sadd.s32 @!p0 s3, s7;
	s7 =	simm.s32 @!p0 $0x108  }
0x21: {  	s3 =	sadd.s32 s3, s9;
	s6 =	sadd.s32 @!p0 $0x88, s6;
	s7 =	simm.s32 @p2 $0x1082  }
0x22: {  	[simem:s7], [sflag:s8] =	dma.local @!p0 [hbm:s6], $0xF7A  }
0x23: {  	s9 =	sor.u32 $0xD0000000, s2;
	s6 =	simm.s32 $0x108;
	_ =	swait.ge @!p0 [sflag:s8], $0x0  }
0x24: {  	s3 =	sadd.s32 $0x88, s3;
	s6 =	simm.s32 @!p1 $0x1082;
	[sflag:s4] =	ssyncset.s32 $0xFFFFF086  }
0x25: {  	[simem:s6], [sflag:s4] =	dma.local [hbm:s3], $0xF7A  }
0x26: {  	[smem:$0x3F9E] =	sst s1;
	(tag) =	ssettag s2;
	_ =	strace s9  }
0x27: {  	s1 =	sld [smem:$0x3FAE]  }
0x28: {  	s2 =	sld [smem:$0x3FAF]  }
0x29: {  	s4 =	sld [smem:$0x3FB1]  }
0x2a: {  	p0 =	seq.s32 s5, $0x0;
	s5 =	sld [smem:$0x3FB2]  }
0x2b: {  	s6 =	sld [smem:$0x3FB3]  }
0x2c: {  	s7 =	sld [smem:$0x3FB4]  }
0x2d: {  	s3 =	simm.s32 $0x108;
	s8 =	sld [smem:$0x3FB5]  }
0x2e: {  	s3 =	simm.s32 @!p0 $0x1082;
	s9 =	sld [smem:$0x3FB6]  }
0x2f: {  	lr =	sadd.s32 s0, s3;
	s0 =	sld [smem:$0x3FAD]  }
0x30: {  	s3 =	sld [smem:$0x3FB0]  }
0x31: {  	[smem:$0x3FB9] =	sst s10  }
0x32: {  	s10 =	sld [smem:$0x3FB7];
	_ =	sdelay $0x3  }
0x33: {  	p0 =	seq.s32 s10, $0x1;
	s10 =	sld [smem:$0x3FB9];
	_ =	sdelay $0x3  }
0x34: {  	[smem:$0x3FB9] =	sst s10  }
0x35: {  	s10 =	sld [smem:$0x3FB8];
	_ =	sdelay $0x3  }
0x36: {  	p1 =	seq.s32 s10, $0x1;
	s10 =	sld [smem:$0x3FB9];
	_ =	sdelay $0x3  }
0x37: {  	[smem:$0x3FB9] =	sst s10  }
0x38: {  	s10 =	sld [smem:$0x3FBA]  }
0x39: {  	_ = 	snop;
	(pc) =	sbr.ind lr, $3  }
0x3a: {  	_ = 	snop  }
0x3b: {  	_ = 	snop  }
0x3c: {  	p2 =	seq.s32 s10, $0x1;
	s10 =	sld [smem:$0x3FB9]  }
0x3d: {  	_ =	shalt  }
0x3e: {  	_ =	shalt  }
0x3f: {  	_ =	shalt  }
0x40: {  	_ =	shalt  }
0x41: {  	_ =	shalt  }
0x42: {  	_ =	shalt  }
0x43: {  	_ =	shalt  }
0x44: {  	_ =	shalt  }
0x45: {  	_ =	shalt  }
0x46: {  	_ =	shalt  }
0x47: {  	_ =	shalt  }
0x48: {  	_ =	shalt  }
0x49: {  	_ =	shalt  }
0x4a: {  	_ =	shalt  }
0x4b: {  	_ =	shalt  }
0x4c: {  	_ =	shalt  }
0x4d: {  	_ =	shalt  }
0x4e: {  	_ =	shalt  }
0x4f: {  	_ =	shalt  }
0x50: {  	_ =	shalt  }
0x51: {  	_ =	shalt  }
0x52: {  	_ =	shalt  }
0x53: {  	_ =	shalt  }
0x54: {  	_ =	shalt  }
0x55: {  	_ =	shalt  }
0x56: {  	_ =	shalt  }
0x57: {  	_ =	shalt  }
0x58: {  	_ =	shalt  }
0x59: {  	_ =	shalt  }
0x5a: {  	_ =	shalt  }
0x5b: {  	_ =	shalt  }
0x5c: {  	_ =	shalt  }
0x5d: {  	_ =	shalt  }
0x5e: {  	_ =	shalt  }
0x5f: {  	_ =	shalt  }
0x60: {  	_ =	shalt  }
0x61: {  	_ =	shalt  }
0x62: {  	_ =	shalt  }
0x63: {  	_ =	shalt  }
0x64: {  	_ =	shalt  }
0x65: {  	_ =	shalt  }
0x66: {  	_ =	shalt  }
0x67: {  	_ =	shalt  }
0x68: {  	_ =	shalt  }
0x69: {  	_ =	shalt  }
0x6a: {  	_ =	shalt  }
0x6b: {  	_ =	shalt  }
0x6c: {  	_ =	shalt  }
0x6d: {  	_ =	shalt  }
0x6e: {  	_ =	shalt  }
0x6f: {  	_ =	shalt  }
0x70: {  	_ =	shalt  }
0x71: {  	_ =	shalt  }
0x72: {  	_ =	shalt  }
0x73: {  	_ =	shalt  }
0x74: {  	_ =	shalt  }
0x75: {  	_ =	shalt  }
0x76: {  	_ =	shalt  }
0x77: {  	_ =	shalt  }
0x78: {  	_ =	shalt  }
0x79: {  	_ =	shalt  }
0x7a: {  	_ =	shalt  }
0x7b: {  	_ =	shalt  }
0x7c: {  	_ =	shalt  }
0x7d: {  	_ =	shalt  }
0x7e: {  	_ =	shalt  }
0x7f: {  	_ =	shalt  }
0x80: {  	_ =	shalt  }
0x81: {  	_ =	shalt  }
0x82: {  	_ =	shalt  }
0x83: {  	_ =	shalt  }
0x84: {  	_ =	shalt  }
0x85: {  	_ =	shalt  }
0x86: {  	_ =	shalt  }
0x87: {  	_ =	shalt  }
.Lfunc_end0:
.L_simem_size_0:
called_computation.1_lowered:
.L_overlay_start_0:
0x88: {  	s2 =	sld [smem:$0x3FD9]  }
0x89: {  	s3 =	sld [smem:$0x3FFE];
	_ =	sdelay $0x1  }
0x8a: {  	s1 =	srdreg.scid  }
0x8b: {  	s0 =	sand.u32 $0x1, s1  }
0x8c: {  	s17 =	sshll.u32 s0, $0xA;
	s2 =	sadd.s32 s3, s2  }
0x8d: {  	s2 =	sadd.s32 s2, s17  }
0x8e: {  	[smem:$0x3FC5] =	sst s2  }
0x8f: {  	_ = 	snop  }
0x90: {  	s2 =	sld [smem:$0x3FC8]  }
0x91: {  	s18 =	sld [smem:$0x3FC7]  }
0x92: {  	s4 =	sld [smem:$0x3FD0];
	(tm) =	ssettm $0x1  }
0x93: {  	s5 =	sld [smem:$0x3FFB];
	_ =	sdelay $0x3  }
0x94: {  	_ =	strace s5  }
0x95: {  	s5 =	sld [smem:$0x3FFC];
	_ =	sdelay $0x3  }
0x96: {  	_ =	strace s5  }
0x97: {  	s5 =	sld [smem:$0x3FFD];
	_ =	sdelay $0x3  }
0x98: {  	_ =	strace s5  }
0x99: {  	_ =	strace $0x8FFFFFFF  }
0x9a: {  	s19 =	sld [smem:$0x3FDB];
	_ =	sdelay $0x1  }
0x9b: {  	s6 =	simm.s32 $_scs_section_size  }
0x9c: {  	s7 =	simm.s32 $_size__tile_overlayer_lowered;
	s8 =	simm.s32 $_tile_overlayer_lowered  }
0x9d: {  	s22 =	simm.s32 $0x1BFF;
	s21 =	sshll.u32 s8, $0x1;
	s5 =	sadd.s32 s6, s19  }
0x9e: {  	s9 =	simm.s32 $0x0;
	s20 =	sshll.u32 s7, $0x1;
	s7 =	sadd.s32 s21, s5  }
0x9f: {  	[timem:s9], [sflag:s22] =	dma.local [hbm:s7], s20  }
0xa0: {  	_ =	swait.ge [sflag:s22], s20  }
0xa1: {  	s6 =	ssub.s32 $0x0, s20;
	[sflag:s22] =	ssyncset.done $0x0  }
0xa2: {  	[sflag:s22] =	ssyncadd.s32 s6;
	_ =	sdelay $0x1  }
0xa3: {  	s23 =	simm.s32 $0x1B8B  }
0xa4: {  	_ =	swait.ge [sflag:s23], $0x1  }
0xa5: {  	[sflag:s23] =	ssyncset.done $0x0  }
0xa6: {  	s25 =	simm.s32 $0x1B8E;
	s24 =	sld [smem:$0x3FFE];
	[sflag:s23] =	ssyncadd.s32 $0xFFFFFFFF  }
0xa7: {  	s26 =	simm.s32 $execute0_lowered;
	[smem:$0x3FD2] =	sst s25  }
0xa8: {  	s7 =	sshll.u32 s26, $0x1;
	_ =	strace $0x80000049;
	[dreg:$0x1] =	wrdreg $0xFFFFFFFF  }
0xa9: {  	s28 =	simm.s32 $_size_execute0_lowered;
	s5 =	sadd.s32 s5, s7;
	[dreg:$0x0] =	wrdreg $0x0  }
0xaa: {  	s7 =	sshll.u32 s28, $0x1;
	[dreg:$0x2] =	wrdreg s5  }
0xab: {  	[dreg:$0x3] =	wrdreg s7  }
0xac: {  	[dreg:$0x4] =	wrdreg $0xC0  }
0xad: {  	_ =	task [dreg:s9], $0x5FFFF  }
0xae: {  	[dreg:$0x1] =	wrdreg $0xFFFFFFFF  }
0xaf: {  	[dreg:$0x0] =	wrdreg $0x60  }
0xb0: {  	[dreg:$0x2] =	wrdreg s4  }
0xb1: {  	[dreg:$0x3] =	wrdreg s2  }
0xb2: {  	[dreg:$0x4] =	wrdreg s18  }
0xb3: {  	[dreg:$0x5] =	wrdreg s24  }
0xb4: {  	[dreg:$0x6] =	wrdreg $0x9  }
0xb5: {  	_ =	task.clear_ibuf [dreg:s9], $0x7FFFF;
	_ =	strace $0x90000049  }
0xb6: {  	s29 =	simm.s32 $0x9;
	_ =	strace $0x8000004B  }
0xb7: {  	_ =	swait.ge [sflag:s29], $0x1  }
0xb8: {  	[sflag:s29] =	ssyncadd.s32 $0xFFFFFFFF  }
0xb9: {  	_ =	strace $0x9000004B  }
0xba: {  	_ =	sfence  }
0xbb: {  	s30 =	sld [smem:$0x0];
	_ =	sdelay $0x2  }
0xbc: {  	s31 =	sshll.u32 s1, $0xD;
	s1 =	sshrl.u32 s1, $0x2  }
0xbd: {  	s3 =	sand.u32 $0x4000, s31;
	s1 =	sadd.s32 s1, s30  }
0xbe: {  	s0 =	sor.u32 s3, s0;
	s1 =	sshll.u32 s1, $0x11  }
0xbf: {  	s0 =	sor.u32 s1, s0  }
0xc0: {  	s0 =	sadd.s32 $0x8F2B, s0  }
0xc1: {  	[sflag:s0] =	ssyncadd.remote.s32 $0x1  }
0xc2: {  	_ =	sfence.sel $0xFFFF  }
0xc3: {  	[dreg:$0x0] =	wrdreg $0xFFFFFFFF;
	(pc) =	sbr.abs _section_cstart, $3  }
0xc4: {  	[dreg:$0x1] =	wrdreg $0xFFFFFFFF  }
0xc5: {  	_ =	task.clear_ibuf [dreg:s9], $0x2FFFF;
	_ =	strace $0x9FFFFFFF  }
0xc6: {  	(tm) =	ssettm $0x7FFFFFFF  }
0xc7: {  	_ =	shalt  }
tec
execute0_lowered:
.L_overlay_start_1:
0x0: {  	(tag) =	ssettag $0x1  }
0x1: {  	s1 =	rddreg [dreg:$0x0]  }
0x2: {  	s2 =	rddreg [dreg:$0x1]  }
0x3: {  	s3 =	rddreg [dreg:$0x2]  }
0x4: {  	s6 =	rddreg [dreg:$0x3];
	s4 =	simm.s32 $0x0  }
0x5: {  	[smem:$0x7FF] =	sst s4  }
0x6: {  	s0 =	rddreg [dreg:$0x4];
	v0 =	vimm.f32 $1.999999950e-05;
	_ =	strace $0x8000004A  }
0x7: {  	(erf) = vrcp.f32 v0;
	_ =	sdelay $0x3  }
0x8: {  	s5 =	srdreg.scid  }
0x9: {  	s11 =	simm.s32 $0x200;
	s12 =	simm.s32 $0x4200;
	s7 =	sand.u32 $0x1, s5  }
0xa: {  	s13 =	simm.s32 $0x0;
	s5 =	stileid.u32;
	s8 =	ssub.s32 $0x2, s7  }
0xb: {  	s10 =	sshll.u32 s5, $0x13;
	s7 =	sshll.u32 s7, $0x12;
	s9 =	sshrl.u32 s8, $0x1  }
0xc: {  	s6 =	sadd.s32 $0x800, s6;
	s7 =	sor.u32 s7, s10;
	s8 =	ssub.s32 s8, s9  }
0xd: {  	s10 =	simm.s32 $0x100;
	s9 =	simm.s32 $0x1;
	s8 =	smax.u32 s8, $0x1;
	v0 =	vpop (erf)  }
.LBB2_1:
0xe: {  	[tilespmem:s4], [sflag:$0x1] =	stream.linear.gather [hbm4b:s2+s4], $0x100, $0x38;
	[tilespmem:$0x8200] =	vst v63  }
0xf: {  	_ =	swait.ge [sflag:s9], $0x100  }
0x10: {  	[sflag:s9] =	ssyncset.done $0x0  }
0x11: {  	[sflag:s9] =	ssyncadd.s32 $0xFFFFFF00  }
0x12: {  	[tilespmem:s10], [sflag:$0x1] =	stream.linear.gather [hbm4b:s3+s4], $0x100, $0x38;
	[tilespmem:$0x8200] =	vst v63  }
0x13: {  	_ =	swait.ge [sflag:s9], $0x100  }
0x14: {  	[sflag:s9] =	ssyncset.done $0x0  }
0x15: {  	s14 =	simm.s32 $0x0;
	[sflag:s9] =	ssyncadd.s32 $0xFFFFFF00  }
.LBB2_2:
0x16: {  	s15 =	sshll.u32 s14, $0xB  }
0x17: {  	s15 =	sadd.s32 s7, s15  }
0x18: {  	s17 =	simm.s32 $0x0;
	s16 =	sadd.s32 s1, s15  }
0x19: {  	[tilespmem:s11], [sflag:$0x1] =	stream.linear.gather [hbm4b:s16+s17], $0x4000, $0x38;
	[tilespmem:$0x8200] =	vst v63  }
0x1a: {  	_ =	swait.ge [sflag:s9], $0x4000  }
0x1b: {  	[sflag:s9] =	ssyncset.done $0x0  }
0x1c: {  	s17 =	simm.s32 $0x0;
	[sflag:s9] =	ssyncadd.s32 $0xFFFFC000  }
0x1d: {  	v1 =	vld [tilespmem:s17+$0x200];
	_ =	sdelay $0x4  }
0x1e: {  	v1 =	vmul.f32 v1, v0;
	_ =	sdelay $0x1  }
0x1f: {  	s16 =	simm.s32 $0x10;
	v1 =	vmax.f32 v1, $0.0e+00  }
0x20: {  	v2 =	vld [tilespmem:s16+$0x200];
	v1 =	vmin.f32 v1, $6.553500000e+04  }
0x21: {  	v1 =	vadd.f32 $8.388608000e+06, v1;
	_ =	sdelay $0x1  }
0x22: {  	v1 =	vadd.f32 $-8.388608000e+06, v1;
	_ =	sdelay $0x1  }
0x23: {  	v2 =	vmul.f32 v2, v0;
	v1 =	vtrunc.f32 v1  }
0x24: {  	v3 =	vcvt.f32.s32 v1  }
0x25: {  	v1 =	vmax.f32 v2, $0.0e+00  }
0x26: {  	v4 =	vmin.f32 v1, $6.553500000e+04;
	v1 =	vshrl.u32 v3, $0x8  }
0x27: {  	v2 =	vand.u32 $0xFF, v3;
	_ =	sdelay $0x1  }
0x28: {  	s18 =	simm.s32 $0x20;
	v4 =	vadd.f32 $8.388608000e+06, v4  }
0x29: {  	s19 =	simm.s32 $0xC0;
	v3 =	vld [tilespmem:s18+$0x200]  }
.LBB2_3:
0x2a: {  	p0 =	sne.s32 s19, $0xFFC0;
	v4 =	vadd.f32 $-8.388608000e+06, v4;
	v5 =	vld.idx.msk [tilespmem:v1+s10+$0x0], $0xffff;
	s20 =	smov.u32 s18  }
0x2b: {  	v6 =	vld.idx.msk [tilespmem:v2+s4+$0x0], $0xffff  }
0x2c: {  	v1 =	vtrunc.f32 v4  }
0x2d: {  	v2 =	vcvt.f32.s32 v1  }
0x2e: {  	v3 =	vmul.f32 v3, v0  }
.Ltmp0:
0x2f: {  	v1 =	vshrl.u32 v2, $0x8;
	(pc) =	sbr.rel @p0 .LBB2_3-.Ltmp0, $4  }
0x30: {  	v2 =	vand.u32 $0xFF, v2;
	v3 =	vmax.f32 v3, $0.0e+00  }
0x31: {  	v5 =	vadd.f32 v5, v6;
	v3 =	vmin.f32 v3, $6.553500000e+04  }
0x32: {  	s18 =	sshra.s32 s19, $0x2;
	v4 =	vadd.f32 $8.388608000e+06, v3  }
0x33: {  	s19 =	sadd.s32 $0x40, s19;
	v3 =	vld [tilespmem:s18+$0x200];
	[tilespmem:s17+$0x4200] =	vst v5;
	s17 =	smov.u32 s16;
	s16 =	smov.u32 s20  }
0x34: {  	_ =	sdelay $0x2  }
0x35: {  	v4 =	vadd.f32 $-8.388608000e+06, v4  }
0x36: {  	v1 =	vld.idx.msk [tilespmem:v1+s10+$0x0], $0xffff  }
0x37: {  	v2 =	vld.idx.msk [tilespmem:v2+s4+$0x0], $0xffff;
	v4 =	vtrunc.f32 v4  }
0x38: {  	v4 =	vcvt.f32.s32 v4;
	v3 =	vmul.f32 v3, v0;
	_ =	sdelay $0x1  }
0x39: {  	v5 =	vshrl.u32 v4, $0x8;
	v3 =	vmax.f32 v3, $0.0e+00  }
0x3a: {  	v4 =	vand.u32 $0xFF, v4;
	v3 =	vmin.f32 v3, $6.553500000e+04  }
0x3b: {  	v1 =	vadd.f32 v1, v2;
	v2 =	vadd.f32 $8.388608000e+06, v3;
	_ =	sdelay $0x1  }
0x3c: {  	[tilespmem:s17+$0x4200] =	vst v1;
	v1 =	vadd.f32 $-8.388608000e+06, v2  }
0x3d: {  	v2 =	vld.idx.msk [tilespmem:v5+s10+$0x0], $0xffff  }
0x3e: {  	v3 =	vld.idx.msk [tilespmem:v4+s4+$0x0], $0xffff;
	v1 =	vtrunc.f32 v1  }
0x3f: {  	v1 =	vcvt.f32.s32 v1;
	_ =	sdelay $0x1  }
0x40: {  	v63 =	vshrl.u32 v1, $0x8  }
0x41: {  	v1 =	vand.u32 $0xFF, v1  }
0x42: {  	v2 =	vadd.f32 v2, v3;
	_ =	sdelay $0x1  }
0x43: {  	[tilespmem:s16+$0x4200] =	vst v2  }
0x44: {  	v2 =	vld.idx.msk [tilespmem:v63+s10+$0x0], $0xffff  }
0x45: {  	v1 =	vld.idx.msk [tilespmem:v1+s4+$0x0], $0xffff;
	_ =	sdelay $0x4  }
0x46: {  	s14 =	sadd.s32 $0x1, s14;
	v1 =	vadd.f32 v2, v1  }
0x47: {  	p0 =	sne.s32 s14, $0x80  }
.Ltmp1:
0x48: {  	s15 =	sadd.s32 s6, s15;
	[tilespmem:s18+$0x4200] =	vst v1;
	(pc) =	sbr.rel @p0 .LBB2_2-.Ltmp1, $4  }
0x49: {  	[hbm4b:s15+s4] =	stream.linear.scatter [tilespmem:s12], [sflag:$0x1], $0x4000, $0x38;
	[tilespmem:$0x8200] =	vst v63  }
0x4a: {  	_ =	swait.ge [sflag:s9], $0x4000  }
0x4b: {  	[sflag:s9] =	ssyncset.done $0x0  }
0x4c: {  	[sflag:s9] =	ssyncadd.s32 $0xFFFFC000  }
0x4d: {  	s13 =	sadd.s32 $0x1, s13  }
0x4e: {  	p0 =	sne.s32 s13, s8  }
.Ltmp2:
0x4f: {  	_ = 	snop;
	(pc) =	sbr.rel @p0 .LBB2_1-.Ltmp2, $1  }
0x50: {  	_ =	sdelay $0x3  }
0x51: {  	_ =	sfence.sel $0x180000  }
0x52: {  	[bflag:$0x0] =	sbarrier.arrive $0xFFFF  }
0x53: {  	p0 =	sne.s32 s5, $0x0;
	_ =	strace $0x9000004A  }
0x54: {  	s0 =	sadd.s32 @!p0 $0x100000, s0;
	[bflag:$0x2] =	sbarrier.arrive $0xFFFF  }
0x55: {  	[sflag:s0] =	ssyncadd.tile.s32 @!p0 $0x1;
	_ =	shalt  }
.Lfunc_end2:
_tile_overlayer_lowered:
.L_overlay_start_2:
0x56: {  	(tag) =	ssettag $0x2  }
0x57: {  	s0 =	rddreg [dreg:$0x0];
	s2 =	stileid.u32  }
0x58: {  	s1 =	rddreg [dreg:$0x1];
	p0 =	sne.s32 s2, $0x0  }
0x59: {  	s3 =	rddreg [dreg:$0x2];
	[bflag:$0x3] =	sbarrier.arrive $0xFFFF;
	s2 =	simm.s32 @!p0 $0x1C01  }
0x5a: {  	[timem:s3], [sflag:s2] =	dma.local @!p0 [hbm:s0], s1  }
0x5b: {  	s0 =	simm.s32 @!p0 $0x1  }
0x5c: {  	_ =	swait.ge @!p0 [sflag:s0], s1  }
0x5d: {  	s1 =	ssub.s32 @!p0 $0x0, s1;
	[sflag:s0] =	ssyncset.done @!p0 $0x0  }
0x5e: {  	[sflag:s0] =	ssyncadd.s32 @!p0 s1  }
0x5f: {  	[bflag:$0x3] =	sbarrier.arrive $0xFFFF  }
0x60: {  	_ =	shalt  }

// kernel: sparse-core-data-format-call.cloned.1.call-start
scs
called_computation_lowered:
.L_overlay_start_0:
0x0: {  	s2 =	sld [smem:$0x3FD9]  }
0x1: {  	s3 =	sld [smem:$0x3FFE];
	_ =	sdelay $0x1  }
0x2: {  	s1 =	srdreg.scid  }
0x3: {  	s0 =	sand.u32 $0x1, s1  }
0x4: {  	s19 =	sshll.u32 s0, $0xA;
	s2 =	sadd.s32 s3, s2  }
0x5: {  	s2 =	sadd.s32 s2, s19  }
0x6: {  	[smem:$0x3FC5] =	sst s2  }
0x7: {  	_ = 	snop  }
0x8: {  	s2 =	sld [smem:$0x3FC9]  }
0x9: {  	s20 =	sld [smem:$0x3FD0];
	(tm) =	ssettm $0x1  }
0xa: {  	s4 =	sld [smem:$0x3FFB];
	_ =	sdelay $0x3  }
0xb: {  	_ =	strace s4  }
0xc: {  	s4 =	sld [smem:$0x3FFC];
	_ =	sdelay $0x3  }
0xd: {  	_ =	strace s4  }
0xe: {  	s4 =	sld [smem:$0x3FFD];
	_ =	sdelay $0x3  }
0xf: {  	_ =	strace s4  }
0x10: {  	_ =	strace $0x8FFFFFFF  }
0x11: {  	s21 =	sld [smem:$0x3FDB];
	_ =	sdelay $0x1  }
0x12: {  	s5 =	simm.s32 $_scs_section_size  }
0x13: {  	s6 =	simm.s32 $_size__tile_overlayer_lowered;
	s7 =	simm.s32 $_tile_overlayer_lowered  }
0x14: {  	s24 =	simm.s32 $0x1BFF;
	s23 =	sshll.u32 s7, $0x1;
	s4 =	sadd.s32 s5, s21  }
0x15: {  	s8 =	simm.s32 $0x0;
	s22 =	sshll.u32 s6, $0x1;
	s6 =	sadd.s32 s23, s4  }
0x16: {  	[timem:s8], [sflag:s24] =	dma.local [hbm:s6], s22  }
0x17: {  	_ =	swait.ge [sflag:s24], s22  }
0x18: {  	s5 =	ssub.s32 $0x0, s22;
	[sflag:s24] =	ssyncset.done $0x0  }
0x19: {  	[sflag:s24] =	ssyncadd.s32 s5;
	_ =	sdelay $0x1  }
0x1a: {  	s25 =	simm.s32 $0x1B8B  }
0x1b: {  	_ =	swait.ge [sflag:s25], $0x1  }
0x1c: {  	[sflag:s25] =	ssyncset.done $0x0  }
0x1d: {  	s26 =	simm.s32 $0x1B8E;
	[sflag:s25] =	ssyncadd.s32 $0xFFFFFFFF  }
0x1e: {  	s27 =	simm.s32 $execute0_lowered;
	[smem:$0x3FD2] =	sst s26  }
0x1f: {  	s5 =	sshll.u32 s27, $0x1;
	_ =	strace $0x80000046;
	[dreg:$0x1] =	wrdreg $0xFFFFFFFF  }
0x20: {  	s28 =	simm.s32 $_size_execute0_lowered;
	s4 =	sadd.s32 s4, s5;
	[dreg:$0x0] =	wrdreg $0x0  }
0x21: {  	s5 =	sshll.u32 s28, $0x1;
	[dreg:$0x2] =	wrdreg s4  }
0x22: {  	[dreg:$0x3] =	wrdreg s5  }
0x23: {  	[dreg:$0x4] =	wrdreg $0xC0  }
0x24: {  	_ =	task [dreg:s8], $0x5FFFF  }
0x25: {  	[dreg:$0x1] =	wrdreg $0xFFFFFFFF  }
0x26: {  	[dreg:$0x0] =	wrdreg $0x60  }
0x27: {  	[dreg:$0x2] =	wrdreg s2  }
0x28: {  	[dreg:$0x3] =	wrdreg s20  }
0x29: {  	[dreg:$0x4] =	wrdreg $0x9  }
0x2a: {  	_ =	task.clear_ibuf [dreg:s8], $0x5FFFF;
	_ =	strace $0x90000046  }
0x2b: {  	s29 =	simm.s32 $0x9;
	_ =	strace $0x80000048  }
0x2c: {  	_ =	swait.ge [sflag:s29], $0x1  }
0x2d: {  	[sflag:s29] =	ssyncadd.s32 $0xFFFFFFFF  }
0x2e: {  	_ =	strace $0x90000048  }
0x2f: {  	_ =	sfence  }
0x30: {  	s30 =	sld [smem:$0x0];
	_ =	sdelay $0x2  }
0x31: {  	s31 =	sshll.u32 s1, $0xD;
	s1 =	sshrl.u32 s1, $0x2  }
0x32: {  	s3 =	sand.u32 $0x4000, s31;
	s1 =	sadd.s32 s1, s30  }
0x33: {  	s0 =	sor.u32 s3, s0;
	s1 =	sshll.u32 s1, $0x11  }
0x34: {  	s0 =	sor.u32 s1, s0  }
0x35: {  	s0 =	sadd.s32 $0x8F2B, s0  }
0x36: {  	[sflag:s0] =	ssyncadd.remote.s32 $0x1  }
0x37: {  	_ =	sfence.sel $0xFFFF  }
0x38: {  	[dreg:$0x0] =	wrdreg $0xFFFFFFFF;
	(pc) =	sbr.abs _section_cstart, $3  }
0x39: {  	[dreg:$0x1] =	wrdreg $0xFFFFFFFF  }
0x3a: {  	_ =	task.clear_ibuf [dreg:s8], $0x2FFFF;
	_ =	strace $0x9FFFFFFF  }
0x3b: {  	(tm) =	ssettm $0x7FFFFFFF  }
tec
execute0_lowered:
.L_overlay_start_1:
0x0: {  	(tag) =	ssettag $0x1  }
0x1: {  	s2 =	rddreg [dreg:$0x0]  }
0x2: {  	s3 =	rddreg [dreg:$0x1]  }
0x3: {  	s0 =	rddreg [dreg:$0x2];
	s4 =	srdreg.scid  }
.Ltmp0:
0x4: {  	_ =	strace $0x80000047;
	s1 =	stileid.u32;
	(pc) =	sbr.rel .LBB1_1-.Ltmp0, $4  }
0x5: {  	s6 =	simm.s32 $0x2;
	p0 =	por $0x0, $0x0;
	s5 =	sshll.u32 s4, $0x4  }
0x6: {  	s9 =	simm.s32 $0x0;
	s4 =	simm.s32 $0x1;
	s5 =	sand.u32 $0x10, s5  }
0x7: {  	s7 =	simm.s32 $0x0;
	[sflag:s4] =	ssyncpa.u1 $0x0;
	s5 =	sor.u32 s1, s5  }
0x8: {  	[sflag:s6] =	ssyncpa.u1 $0x0;
	s6 =	simm.s32 $0x0;
	s8 =	smov.u32 s5  }
.LBB1_7:
0x9: {  	s11 =	sadd.s32 $0x20, s8  }
0xa: {  	p1 =	slt.u32 s7, $0x2;
	s7 =	sadd.s32 $0x1, s7;
	p2 =	sgt.s32 s11, $0xFFF  }
0xb: {  	s11 =	smov.u32 @p2 s5;
	p2 =	sne.s32 s7, $0x82  }
.Ltmp1:
0xc: {  	_ = 	snop;
	(pc) =	sbr.rel @!p2 .LBB1_8-.Ltmp1, $4  }
0xd: {  	s10 =	simm.s32 @!p1 $0x2  }
0xe: {  	_ =	swait.ge @!p1 [sflag:s10], $0x4000  }
0xf: {  	s9 =	smov.u32 s8;
	[sflag:s10] =	ssyncset.done @!p1 $0x0  }
0x10: {  	p0 =	por !p0, !p0;
	s8 =	smov.u32 s11;
	[sflag:s10] =	ssyncadd.s32 @!p1 $0xFFFFC000  }
.LBB1_1:
0x11: {  	p1 =	sgt.u32 s7, $0x7F  }
0x12: {  	s10 =	sxor.u32 @!p1 $0xFFFFFFFF, s7  }
0x13: {  	s11 =	sshll.u32 @!p1 s8, $0xB;
	s10 =	sshll.u32 @!p1 s10, $0xE  }
0x14: {  	s12 =	simm.s32 @!p1 $0x0;
	s11 =	sadd.s32 @!p1 s2, s11;
	s10 =	sand.u32 @!p1 $0x4000, s10  }
0x15: {  	[tilespmem:s10], [sflag:$0x1] =	stream.linear.gather @!p1 [hbm4b:s11+s12], $0x4000, $0x38;
	[tilespmem:$0x10000] =	vst v63  }
0x16: {  	p1 =	seq.s32 s7, $0x0  }
0x17: {  	p2 =	seq.s32 @!p1 s7, $0x81  }
0x18: {  	p1 =	por p1, p2  }
.Ltmp2:
0x19: {  	_ = 	snop;
	(pc) =	sbr.rel @p1 .LBB1_7-.Ltmp2, $1  }
0x1a: {  	_ =	sdelay $0x3  }
0x1b: {  	s10 =	simm.s32 $0x1;
	_ =	swait.ge [sflag:s4], $0x4000;
	s12 =	sshll.u32 s7, $0xE  }
0x1c: {  	s13 =	simm.s32 $0x0;
	s10 =	simm.s32 @!p0 $0x0;
	[sflag:s4] =	ssyncset.done $0x0  }
0x1d: {  	s12 =	sand.u32 $0x4000, s12;
	s11 =	sshll.u32 s10, $0xE;
	[sflag:s4] =	ssyncadd.s32 $0xFFFFC000  }
0x1e: {  	s12 =	sor.u32 $0x8000, s12;
	s10 =	sor.u32 $0x8040, s11;
	s11 =	sor.u32 $0x40, s11  }
.LBB1_3:
0x1f: {  	v0 =	vmov s11;
	_ =	sdelay $0x3  }
0x20: {  	s15 =	simm.s32 $0x0  }
0x21: {  	v6 =	vld.idx.msk [tilespmem:v0+s15+$0x30 ss:$0x1], $0xffff  }
0x22: {  	v7 =	vld.idx.msk [tilespmem:v0+s15+$0xFFFFFFC0 ss:$0x1], $0xffff  }
0x23: {  	v5 =	vld.idx.msk [tilespmem:v0+s15+$0xFFFFFFD0 ss:$0x1], $0xffff  }
0x24: {  	v4 =	vld.idx.msk [tilespmem:v0+s15+$0xFFFFFFE0 ss:$0x1], $0xffff  }
0x25: {  	v3 =	vld.idx.msk [tilespmem:v0+s15+$0xFFFFFFF0 ss:$0x1], $0xffff  }
0x26: {  	v1 =	vld.idx.msk [tilespmem:v0+s15+$0x0 ss:$0x1], $0xffff  }
0x27: {  	v2 =	vld.idx.msk [tilespmem:v0+s15+$0x10 ss:$0x1], $0xffff;
	[tilespmem:s10+$0x30] =	vst v6  }
0x28: {  	s14 =	simm.s32 $0x80;
	s16 =	simm.s32 $0x400;
	[tilespmem:s10+$0xFFFFFFC0] =	vst v7;
	v6 =	vld.idx.msk [tilespmem:v0+s15+$0x20 ss:$0x1], $0xffff;
	s15 =	smov.u32 s10  }
.LBB1_4:
0x29: {  	p1 =	sne.s32 s16, $0xE00;
	v7 =	vld.idx.msk [tilespmem:v0+s14+$0x30 ss:$0x1], $0xffff;
	[tilespmem:s15+$0xFFFFFFD0] =	vst v5  }
0x2a: {  	v8 =	vld.idx.msk [tilespmem:v0+s14+$0xFFFFFFC0 ss:$0x1], $0xffff;
	[tilespmem:s15+$0xFFFFFFE0] =	vst v4  }
0x2b: {  	v5 =	vld.idx.msk [tilespmem:v0+s14+$0xFFFFFFD0 ss:$0x1], $0xffff;
	[tilespmem:s15+$0xFFFFFFF0] =	vst v3  }
.Ltmp3:
0x2c: {  	v4 =	vld.idx.msk [tilespmem:v0+s14+$0xFFFFFFE0 ss:$0x1], $0xffff;
	[tilespmem:s15+$0x0] =	vst v1;
	(pc) =	sbr.rel @p1 .LBB1_4-.Ltmp3, $4  }
0x2d: {  	v3 =	vld.idx.msk [tilespmem:v0+s14+$0xFFFFFFF0 ss:$0x1], $0xffff;
	[tilespmem:s15+$0x10] =	vst v2  }
0x2e: {  	v1 =	vld.idx.msk [tilespmem:v0+s14+$0x0 ss:$0x1], $0xffff;
	[tilespmem:s15+$0x20] =	vst v6;
	s15 =	sadd.s32 $0x800, s15  }
0x2f: {  	v2 =	vld.idx.msk [tilespmem:v0+s14+$0x10 ss:$0x1], $0xffff;
	[tilespmem:s15+$0x30] =	vst v7  }
0x30: {  	[tilespmem:s15+$0xFFFFFFC0] =	vst v8;
	v6 =	vld.idx.msk [tilespmem:v0+s14+$0x20 ss:$0x1], $0xffff;
	s14 =	sshra.s32 s16, $0x2;
	s16 =	sadd.s32 $0x200, s16  }
0x31: {  	_ =	sdelay $0x2  }
0x32: {  	[tilespmem:s15+$0xFFFFFFD0] =	vst v5  }
0x33: {  	v56 =	vld.idx.msk [tilespmem:v0+s14+$0x30 ss:$0x1], $0xffff;
	[tilespmem:s15+$0xFFFFFFE0] =	vst v4  }
0x34: {  	v57 =	vld.idx.msk [tilespmem:v0+s14+$0xFFFFFFC0 ss:$0x1], $0xffff;
	[tilespmem:s15+$0xFFFFFFF0] =	vst v3  }
0x35: {  	v58 =	vld.idx.msk [tilespmem:v0+s14+$0xFFFFFFD0 ss:$0x1], $0xffff;
	[tilespmem:s15+$0x0] =	vst v1  }
0x36: {  	v59 =	vld.idx.msk [tilespmem:v0+s14+$0xFFFFFFE0 ss:$0x1], $0xffff;
	[tilespmem:s15+$0x10] =	vst v2  }
0x37: {  	v60 =	vld.idx.msk [tilespmem:v0+s14+$0xFFFFFFF0 ss:$0x1], $0xffff;
	s31 =	sadd.s32 $0x800, s15;
	[tilespmem:s15+$0x20] =	vst v6  }
0x38: {  	v61 =	vld.idx.msk [tilespmem:v0+s14+$0x0 ss:$0x1], $0xffff;
	[tilespmem:s31+$0x30] =	vst v56  }
0x39: {  	v62 =	vld.idx.msk [tilespmem:v0+s14+$0x10 ss:$0x1], $0xffff;
	s13 =	sadd.s32 $0x1, s13;
	[tilespmem:s31+$0xFFFFFFC0] =	vst v57  }
0x3a: {  	v63 =	vld.idx.msk [tilespmem:v0+s14+$0x20 ss:$0x1], $0xffff;
	p1 =	sne.s32 s13, $0x10;
	[tilespmem:s31+$0xFFFFFFD0] =	vst v58  }
.Ltmp4:
0x3b: {  	[tilespmem:s31+$0xFFFFFFE0] =	vst v59;
	(pc) =	sbr.rel @p1 .LBB1_3-.Ltmp4, $4  }
0x3c: {  	[tilespmem:s31+$0xFFFFFFF0] =	vst v60  }
0x3d: {  	[tilespmem:s31+$0x0] =	vst v61  }
0x3e: {  	[tilespmem:s31+$0x10] =	vst v62  }
0x3f: {  	s10 =	sadd.s32 $0x80, s10;
	s11 =	sadd.s32 $0x400, s11;
	[tilespmem:s31+$0x20] =	vst v63  }
.Ltmp5:
0x40: {  	(pc) =	sbr.rel .LBB1_7-.Ltmp5, $4  }
0x41: {  	_ = 	snop  }
0x42: {  	s9 =	sshll.u32 s9, $0xB  }
0x43: {  	s9 =	sadd.s32 s3, s9  }
0x44: {  	[hbm4b:s9+s6] =	stream.linear.scatter [tilespmem:s12], [sflag:$0x2], $0x4000, $0x38;
	[tilespmem:$0x10000] =	vst v63  }
.LBB1_8:
0x45: {  	_ =	sfence.sel $0x180000  }
0x46: {  	s2 =	simm.s32 $0x1;
	[bflag:$0x0] =	sbarrier.arrive $0xFFFF  }
0x47: {  	s31 =	simm.s32 $0x2;
	[sflag:s2] =	ssyncpa.u1 $0x1  }
0x48: {  	[sflag:s31] =	ssyncpa.u1 $0x1  }
0x49: {  	p0 =	sne.s32 s1, $0x0;
	_ =	strace $0x90000047  }
0x4a: {  	s0 =	sadd.s32 @!p0 $0x100000, s0;
	[bflag:$0x2] =	sbarrier.arrive $0xFFFF  }
0x4b: {  	[sflag:s0] =	ssyncadd.tile.s32 @!p0 $0x1;
	_ =	shalt  }
.Lfunc_end1:
_tile_overlayer_lowered:
.L_overlay_start_2:
0x4c: {  	(tag) =	ssettag $0x2  }
0x4d: {  	s0 =	rddreg [dreg:$0x0];
	s2 =	stileid.u32  }
0x4e: {  	s1 =	rddreg [dreg:$0x1];
	p0 =	sne.s32 s2, $0x0  }
0x4f: {  	s3 =	rddreg [dreg:$0x2];
	[bflag:$0x3] =	sbarrier.arrive $0xFFFF;
	s2 =	simm.s32 @!p0 $0x1C01  }
0x50: {  	[timem:s3], [sflag:s2] =	dma.local @!p0 [hbm:s0], s1  }
0x51: {  	s0 =	simm.s32 @!p0 $0x1  }
0x52: {  	_ =	swait.ge @!p0 [sflag:s0], s1  }
0x53: {  	s1 =	ssub.s32 @!p0 $0x0, s1;
	[sflag:s0] =	ssyncset.done @!p0 $0x0  }
0x54: {  	[sflag:s0] =	ssyncadd.s32 @!p0 s1  }
0x55: {  	[bflag:$0x3] =	sbarrier.arrive $0xFFFF  }
0x56: {  	_ =	shalt  }

</sc_bundles>
